<compile_context>
chip_gen: v7x
topology: tpu7x:2x2x1
jax: 0.10.2.dev20260603
libtpu: 0.0.44.dev20260713+nightly
codegen_flags: <defaults>
</compile_context>

<pallas_src>
import functools

import jax
import jax.numpy as jnp
from jax import lax
from jax.experimental import pallas as pl
from jax.experimental.pallas import tpu as pltpu
from jax.experimental.pallas import tpu_sc as plsc

VOCAB = 1000000
DIM = 64
SEQ = 200
BATCH = 1024

NC = 2
NS = 16
NW = NC * NS
NLANE = 16
DREG = DIM // NLANE
DPAD = 128

SEQ_PER_W = BATCH // NW
CHUNK_SEQ = 8
CHUNK_ROWS = CHUNK_SEQ * SEQ
N_CHUNKS = SEQ_PER_W // CHUNK_SEQ


def _wid():
    return lax.axis_index("s") * NC + lax.axis_index("c")


TP_BLK = 2048


def _tp_tc_body(in_ref, out_ref):
    t = in_ref[...]
    tt = jnp.transpose(t, (1, 0))
    t3 = tt.reshape(TP_BLK // 2, 2, DIM)
    out_ref[:, 0:DIM] = t3[:, 0, :]
    out_ref[:, DIM:DPAD] = t3[:, 1, :]


def _gather_body(x_hbm, table_hbm, pos_hbm, out_hbm, idx_v, rows_v, pos_v, sem):
    wid = _wid()
    pltpu.sync_copy(pos_hbm, pos_v)

    def chunk_body(i, carry):
        base_row = (wid * SEQ_PER_W + i * CHUNK_SEQ) * SEQ
        pltpu.sync_copy(x_hbm.at[pl.ds(base_row, CHUNK_ROWS)], idx_v)
        pltpu.async_copy(table_hbm.at[idx_v], rows_v, sem).wait()

        def l_body(l, carry_l):
            def s_body(s, carry_s):
                r = s * SEQ + l
                for cc in range(DREG):
                    sl = pl.ds(cc * NLANE, NLANE)
                    rows_v[r, sl] = rows_v[r, sl] + pos_v[l, sl]
                return carry_s

            return lax.fori_loop(0, CHUNK_SEQ, s_body, carry_l)

        lax.fori_loop(0, SEQ, l_body, 0)
        pltpu.sync_copy(
            rows_v, out_hbm.at[pl.ds(base_row, CHUNK_ROWS), pl.ds(0, DIM)]
        )
        return carry

    lax.fori_loop(0, N_CHUNKS, chunk_body, 0)


@jax.jit
def kernel(x, table, pos_emb):
    x_flat = x.reshape(-1).astype(jnp.int32)
    mesh = plsc.VectorSubcoreMesh(core_axis_name="c", subcore_axis_name="s")

    n_blk = (VOCAB + TP_BLK - 1) // TP_BLK
    staging = pl.pallas_call(
        _tp_tc_body,
        grid=(n_blk,),
        in_specs=[pl.BlockSpec((DIM, TP_BLK), lambda i: (0, i))],
        out_specs=pl.BlockSpec((TP_BLK // 2, DPAD), lambda i: (i, 0)),
        out_shape=jax.ShapeDtypeStruct((VOCAB // 2, DPAD), jnp.float32),
    )(table.T)

    gather_k = functools.partial(
        pl.kernel,
        mesh=mesh,
        compiler_params=pltpu.CompilerParams(use_tc_tiling_on_sc=False),
        out_type=jax.ShapeDtypeStruct((BATCH * SEQ, DPAD), jnp.float32),
        scratch_types=[
            pltpu.VMEM((CHUNK_ROWS,), jnp.int32),
            pltpu.VMEM((CHUNK_ROWS, DIM), jnp.float32),
            pltpu.VMEM((SEQ, DIM), jnp.float32),
            pltpu.SemaphoreType.DMA,
        ],
    )(_gather_body)
    out = gather_k(x_flat, staging.reshape(VOCAB, DIM), pos_emb)
    return out[:, :DIM].reshape(BATCH, SEQ, DIM)

# --- scband reference (transcript-rebuilt; emitter-appended) ---
"""Pipeline reference for scband-embedding-with-position-50998441672751 (READ-ONLY COPY).

The authoritative reference and input builder live on the scoring server;
editing this copy changes nothing except your own understanding.
"""

import jax, jax.numpy as jnp
import numpy as np
import math

VOCAB = 1000000
DIM = 64
MAX_SEQ_LEN = 200
BATCH = 1024
SEQ_LEN = 200


def _make_position_embedding(max_seq_len, dim):
    i = jnp.arange(max_seq_len, dtype=jnp.float32)[:, None]  # [L, 1]
    j = jnp.arange(dim, dtype=jnp.float32)[None, :]          # [1, D]
    j_even = j - jnp.mod(j, 2.0)
    freq = jnp.exp(-(j_even / dim) * math.log(10000.0))      # [1, D]
    angle = i * freq                                          # [L, D]
    is_even = (jnp.mod(jnp.arange(dim), 2) == 0)[None, :]
    pe = jnp.where(is_even, jnp.sin(angle), jnp.cos(angle))
    return pe.astype(jnp.float32)


def setup_inputs(seed: int = 0) -> dict:
    key = jax.random.key(seed)
    k1, k2 = jax.random.split(key)
    x = jax.random.randint(k1, (BATCH, SEQ_LEN), 0, VOCAB, dtype=jnp.int64) if jax.config.jax_enable_x64 else jax.random.randint(k1, (BATCH, SEQ_LEN), 0, VOCAB, dtype=jnp.int32)
    table = jax.random.normal(k2, (VOCAB, DIM), dtype=jnp.float32)
    pos_emb = _make_position_embedding(MAX_SEQ_LEN, DIM)
    return {"x": x, "table": table, "pos_emb": pos_emb}


def reference(x, table, pos_emb):
    emb = jnp.take(table, x, axis=0)                       # [B, L, D] gather
    L = x.shape[1]
    return emb + pos_emb[None, :L, :]

if __name__ == "__main__":
    import jax
    _d = setup_inputs()
    print(jax.jit(kernel)(*tuple(_d.values())))

</pallas_src>

<mosaic_0001>
#map = affine_map<(d0, d1) -> (0)>
#map1 = affine_map<(d0, d1) -> (0, 0)>
module attributes {stable_mosaic.version = 14 : i64} {
  func.func @_gather_body(%arg0: i32, %arg1: i32, %arg2: memref<204800xi32, #tpu.memory_space<hbm>>, %arg3: memref<1000000x64xf32, #tpu.memory_space<hbm>>, %arg4: memref<200x64xf32, #tpu.memory_space<hbm>>, %arg5: memref<204800x128xf32, #tpu.memory_space<hbm>>, %arg6: memref<1600xi32, #tpu.memory_space<vmem>>, %arg7: memref<1600x64xf32, #tpu.memory_space<vmem>>, %arg8: memref<200x64xf32, #tpu.memory_space<vmem>>, %arg9: memref<!tpu.dma_semaphore, #tpu.memory_space<semaphore_mem>>) attributes {dimension_semantics = [#tpu.dimension_semantics<core_parallel>, #tpu.dimension_semantics<subcore_parallel>], iteration_bounds = array<i64: 2, 16>, scalar_prefetch = 0 : i64, scratch_operands = 4 : i64, tpu.core_type = #tpu.core_type<sc_vector_subcore>, window_params = [{transform_indices = #map}, {transform_indices = #map1}, {transform_indices = #map1}, {transform_indices = #map1}]} {
    %mul3A = arith.constant 2 : i32
    %mul3A_0 = arith.muli %arg1, %mul3A : i32
    %add3A = arith.addi %mul3A_0, %arg0 : i32
    "tpu.region"() ({
      %run_scoped3A = tpu.sem_alloc : memref<!tpu.dma_semaphore, #tpu.memory_space<semaphore_mem>>
      tpu.enqueue_dma source(%arg4 : memref<200x64xf32, #tpu.memory_space<hbm>>) target(%arg8 : memref<200x64xf32, #tpu.memory_space<vmem>>) target_semaphore(%run_scoped3A : memref<!tpu.dma_semaphore, #tpu.memory_space<semaphore_mem>>)
      tpu.wait_dma2 semaphore(%run_scoped3A : memref<!tpu.dma_semaphore, #tpu.memory_space<semaphore_mem>>) src(%arg4 : memref<200x64xf32, #tpu.memory_space<hbm>>) dst(%arg8 : memref<200x64xf32, #tpu.memory_space<vmem>>)
      tpu.yield
    }) : () -> ()
    %scan3A = arith.constant 0 : i32
    %scan3A_1 = arith.constant 0 : i32
    %scan3A_2 = arith.constant 4 : i32
    %scan3A_3 = arith.addi %scan3A_1, %scan3A_2 : i32
    %scan3A_4 = arith.constant 1 : i32
    scf.for %scan3A_6 = %scan3A_1 to %scan3A_3 step %scan3A_4  : i32 {
      %mul3A_7 = arith.constant 32 : i32
      %mul3A_8 = arith.muli %add3A, %mul3A_7 : i32
      %mul3A_9 = arith.constant 8 : i32
      %mul3A_10 = arith.muli %scan3A_6, %mul3A_9 : i32
      %add3A_11 = arith.addi %mul3A_8, %mul3A_10 : i32
      %mul3A_12 = arith.constant 200 : i32
      %mul3A_13 = arith.muli %add3A_11, %mul3A_12 : i32
      "tpu.region"() ({
        %run_scoped3A = tpu.sem_alloc : memref<!tpu.dma_semaphore, #tpu.memory_space<semaphore_mem>>
        %dma_start3A_24 = tpu.memref_slice %arg2[%mul3A_13] : memref<204800xi32, #tpu.memory_space<hbm>> -> memref<1600xi32, #tpu.memory_space<hbm>>
        %dma_start3A_25 = tpu.memref_slice %arg2[%mul3A_13] : memref<204800xi32, #tpu.memory_space<hbm>> -> memref<1600xi32, #tpu.memory_space<hbm>>
        tpu.enqueue_dma source(%dma_start3A_25 : memref<1600xi32, #tpu.memory_space<hbm>>) target(%arg6 : memref<1600xi32, #tpu.memory_space<vmem>>) target_semaphore(%run_scoped3A : memref<!tpu.dma_semaphore, #tpu.memory_space<semaphore_mem>>)
        %dma_wait3A_26 = tpu.memref_slice %arg2[%mul3A_13] : memref<204800xi32, #tpu.memory_space<hbm>> -> memref<1600xi32, #tpu.memory_space<hbm>>
        %dma_wait3A_27 = tpu.memref_slice %arg2[%mul3A_13] : memref<204800xi32, #tpu.memory_space<hbm>> -> memref<1600xi32, #tpu.memory_space<hbm>>
        tpu.wait_dma2 semaphore(%run_scoped3A : memref<!tpu.dma_semaphore, #tpu.memory_space<semaphore_mem>>) src(%dma_wait3A_27 : memref<1600xi32, #tpu.memory_space<hbm>>) dst(%arg6 : memref<1600xi32, #tpu.memory_space<vmem>>)
        tpu.yield
      }) : () -> ()
      %dma_start3A = arith.constant 0 : i32
      %dma_start3A_14 = arith.constant 0 : i32
      %dma_start3A_15 = tpu.memref_slice %arg3[%dma_start3A, %dma_start3A_14] : memref<1000000x64xf32, #tpu.memory_space<hbm>> -> memref<1000000x64xf32, #tpu.memory_space<hbm>>
      tpu.enqueue_indirect_dma source(%dma_start3A_15 : memref<1000000x64xf32, #tpu.memory_space<hbm>>) target(%arg7 : memref<1600x64xf32, #tpu.memory_space<vmem>>) offsets(%arg6 : memref<1600xi32, #tpu.memory_space<vmem>>) semaphore(%arg9 : memref<!tpu.dma_semaphore, #tpu.memory_space<semaphore_mem>>)
      %dma_wait3A = arith.constant 0 : i32
      %dma_wait3A_16 = arith.constant 0 : i32
      %dma_wait3A_17 = tpu.memref_slice %arg3[%dma_wait3A, %dma_wait3A_16] : memref<1000000x64xf32, #tpu.memory_space<hbm>> -> memref<1000000x64xf32, #tpu.memory_space<hbm>>
      tpu.wait_indirect_dma semaphore(%arg9 : memref<!tpu.dma_semaphore, #tpu.memory_space<semaphore_mem>>) src(%dma_wait3A_17 : memref<1000000x64xf32, #tpu.memory_space<hbm>>) dst(%arg7 : memref<1600x64xf32, #tpu.memory_space<vmem>>)
      %scan3A_18 = arith.constant 0 : i32
      %scan3A_19 = arith.constant 0 : i32
      %scan3A_20 = arith.constant 200 : i32
      %scan3A_21 = arith.addi %scan3A_19, %scan3A_20 : i32
      %scan3A_22 = arith.constant 1 : i32
      scf.for %scan3A_24 = %scan3A_19 to %scan3A_21 step %scan3A_22  : i32 {
        %scan3A_25 = arith.constant 0 : i32
        %scan3A_26 = arith.constant 8 : i32
        %scan3A_27 = arith.addi %scan3A_25, %scan3A_26 : i32
        %scan3A_28 = arith.constant 1 : i32
        scf.for %scan3A_30 = %scan3A_25 to %scan3A_27 step %scan3A_28  : i32 {
          %mul3A_31 = arith.constant 200 : i32
          %mul3A_32 = arith.muli %scan3A_30, %mul3A_31 : i32
          %add3A_33 = arith.addi %mul3A_32, %scan3A_24 : i32
          %get3A = arith.index_cast %add3A_33 : i32 to index
          %get3A_34 = arith.constant 0 : index
          %get3A_35 = tpu.vector_load %arg7[%get3A, %get3A_34] {strides = array<i32>} : memref<1600x64xf32, #tpu.memory_space<vmem>>, vector<1x16xf32>,
          %get3A_36 = vector.shape_cast %get3A_35 : vector<1x16xf32> to vector<16xf32>
          %get3A_37 = arith.index_cast %scan3A_24 : i32 to index
          %get3A_38 = arith.constant 0 : index
          %get3A_39 = tpu.vector_load %arg8[%get3A_37, %get3A_38] {strides = array<i32>} : memref<200x64xf32, #tpu.memory_space<vmem>>, vector<1x16xf32>,
          %get3A_40 = vector.shape_cast %get3A_39 : vector<1x16xf32> to vector<16xf32>
          %add3A_41 = arith.addf %get3A_36, %get3A_40 : vector<16xf32>
          %swap3A = arith.index_cast %add3A_33 : i32 to index
          %swap3A_42 = arith.constant 0 : index
          %swap3A_43 = tpu.vector_load %arg7[%swap3A, %swap3A_42] {strides = array<i32>} : memref<1600x64xf32, #tpu.memory_space<vmem>>, vector<1x16xf32>,
          %swap3A_44 = vector.shape_cast %swap3A_43 : vector<1x16xf32> to vector<16xf32>
          %swap3A_45 = vector.shape_cast %add3A_41 : vector<16xf32> to vector<1x16xf32>
          tpu.vector_store %arg7[%swap3A, %swap3A_42], %swap3A_45 {strides = array<i32>} : memref<1600x64xf32, #tpu.memory_space<vmem>>, vector<1x16xf32>,
          %get3A_46 = arith.index_cast %add3A_33 : i32 to index
          %get3A_47 = arith.constant 16 : index
          %get3A_48 = tpu.vector_load %arg7[%get3A_46, %get3A_47] {strides = array<i32>} : memref<1600x64xf32, #tpu.memory_space<vmem>>, vector<1x16xf32>,
          %get3A_49 = vector.shape_cast %get3A_48 : vector<1x16xf32> to vector<16xf32>
          %get3A_50 = arith.index_cast %scan3A_24 : i32 to index
          %get3A_51 = arith.constant 16 : index
          %get3A_52 = tpu.vector_load %arg8[%get3A_50, %get3A_51] {strides = array<i32>} : memref<200x64xf32, #tpu.memory_space<vmem>>, vector<1x16xf32>,
          %get3A_53 = vector.shape_cast %get3A_52 : vector<1x16xf32> to vector<16xf32>
          %add3A_54 = arith.addf %get3A_49, %get3A_53 : vector<16xf32>
          %swap3A_55 = arith.index_cast %add3A_33 : i32 to index
          %swap3A_56 = arith.constant 16 : index
          %swap3A_57 = tpu.vector_load %arg7[%swap3A_55, %swap3A_56] {strides = array<i32>} : memref<1600x64xf32, #tpu.memory_space<vmem>>, vector<1x16xf32>,
          %swap3A_58 = vector.shape_cast %swap3A_57 : vector<1x16xf32> to vector<16xf32>
          %swap3A_59 = vector.shape_cast %add3A_54 : vector<16xf32> to vector<1x16xf32>
          tpu.vector_store %arg7[%swap3A_55, %swap3A_56], %swap3A_59 {strides = array<i32>} : memref<1600x64xf32, #tpu.memory_space<vmem>>, vector<1x16xf32>,
          %get3A_60 = arith.index_cast %add3A_33 : i32 to index
          %get3A_61 = arith.constant 32 : index
          %get3A_62 = tpu.vector_load %arg7[%get3A_60, %get3A_61] {strides = array<i32>} : memref<1600x64xf32, #tpu.memory_space<vmem>>, vector<1x16xf32>,
          %get3A_63 = vector.shape_cast %get3A_62 : vector<1x16xf32> to vector<16xf32>
          %get3A_64 = arith.index_cast %scan3A_24 : i32 to index
          %get3A_65 = arith.constant 32 : index
          %get3A_66 = tpu.vector_load %arg8[%get3A_64, %get3A_65] {strides = array<i32>} : memref<200x64xf32, #tpu.memory_space<vmem>>, vector<1x16xf32>,
          %get3A_67 = vector.shape_cast %get3A_66 : vector<1x16xf32> to vector<16xf32>
          %add3A_68 = arith.addf %get3A_63, %get3A_67 : vector<16xf32>
          %swap3A_69 = arith.index_cast %add3A_33 : i32 to index
          %swap3A_70 = arith.constant 32 : index
          %swap3A_71 = tpu.vector_load %arg7[%swap3A_69, %swap3A_70] {strides = array<i32>} : memref<1600x64xf32, #tpu.memory_space<vmem>>, vector<1x16xf32>,
          %swap3A_72 = vector.shape_cast %swap3A_71 : vector<1x16xf32> to vector<16xf32>
          %swap3A_73 = vector.shape_cast %add3A_68 : vector<16xf32> to vector<1x16xf32>
          tpu.vector_store %arg7[%swap3A_69, %swap3A_70], %swap3A_73 {strides = array<i32>} : memref<1600x64xf32, #tpu.memory_space<vmem>>, vector<1x16xf32>,
          %get3A_74 = arith.index_cast %add3A_33 : i32 to index
          %get3A_75 = arith.constant 48 : index
          %get3A_76 = tpu.vector_load %arg7[%get3A_74, %get3A_75] {strides = array<i32>} : memref<1600x64xf32, #tpu.memory_space<vmem>>, vector<1x16xf32>,
          %get3A_77 = vector.shape_cast %get3A_76 : vector<1x16xf32> to vector<16xf32>
          %get3A_78 = arith.index_cast %scan3A_24 : i32 to index
          %get3A_79 = arith.constant 48 : index
          %get3A_80 = tpu.vector_load %arg8[%get3A_78, %get3A_79] {strides = array<i32>} : memref<200x64xf32, #tpu.memory_space<vmem>>, vector<1x16xf32>,
          %get3A_81 = vector.shape_cast %get3A_80 : vector<1x16xf32> to vector<16xf32>
          %add3A_82 = arith.addf %get3A_77, %get3A_81 : vector<16xf32>
          %swap3A_83 = arith.index_cast %add3A_33 : i32 to index
          %swap3A_84 = arith.constant 48 : index
          %swap3A_85 = tpu.vector_load %arg7[%swap3A_83, %swap3A_84] {strides = array<i32>} : memref<1600x64xf32, #tpu.memory_space<vmem>>, vector<1x16xf32>,
          %swap3A_86 = vector.shape_cast %swap3A_85 : vector<1x16xf32> to vector<16xf32>
          %swap3A_87 = vector.shape_cast %add3A_82 : vector<16xf32> to vector<1x16xf32>
          tpu.vector_store %arg7[%swap3A_83, %swap3A_84], %swap3A_87 {strides = array<i32>} : memref<1600x64xf32, #tpu.memory_space<vmem>>, vector<1x16xf32>,
        }
        %scan3A_29 = arith.constant 8 : i32
      }
      %scan3A_23 = arith.constant 200 : i32
      "tpu.region"() ({
        %run_scoped3A = tpu.sem_alloc : memref<!tpu.dma_semaphore, #tpu.memory_space<semaphore_mem>>
        %dma_start3A_24 = arith.constant 0 : i32
        %dma_start3A_25 = tpu.memref_slice %arg5[%mul3A_13, %dma_start3A_24] : memref<204800x128xf32, #tpu.memory_space<hbm>> -> memref<1600x64xf32, #tpu.memory_space<hbm>>
        %dma_start3A_26 = arith.constant 0 : i32
        %dma_start3A_27 = tpu.memref_slice %arg5[%mul3A_13, %dma_start3A_26] : memref<204800x128xf32, #tpu.memory_space<hbm>> -> memref<1600x64xf32, #tpu.memory_space<hbm>>
        tpu.enqueue_dma source(%arg7 : memref<1600x64xf32, #tpu.memory_space<vmem>>) target(%dma_start3A_27 : memref<1600x64xf32, #tpu.memory_space<hbm>>) target_semaphore(%run_scoped3A : memref<!tpu.dma_semaphore, #tpu.memory_space<semaphore_mem>>)
        %dma_wait3A_28 = arith.constant 0 : i32
        %dma_wait3A_29 = tpu.memref_slice %arg5[%mul3A_13, %dma_wait3A_28] : memref<204800x128xf32, #tpu.memory_space<hbm>> -> memref<1600x64xf32, #tpu.memory_space<hbm>>
        %dma_wait3A_30 = arith.constant 0 : i32
        %dma_wait3A_31 = tpu.memref_slice %arg5[%mul3A_13, %dma_wait3A_30] : memref<204800x128xf32, #tpu.memory_space<hbm>> -> memref<1600x64xf32, #tpu.memory_space<hbm>>
        tpu.wait_dma2 semaphore(%run_scoped3A : memref<!tpu.dma_semaphore, #tpu.memory_space<semaphore_mem>>) src(%arg7 : memref<1600x64xf32, #tpu.memory_space<vmem>>) dst(%dma_wait3A_31 : memref<1600x64xf32, #tpu.memory_space<hbm>>)
        tpu.yield
      }) : () -> ()
    }
    %scan3A_5 = arith.constant 4 : i32
    return
  }
}

module attributes {stable_mosaic.version = 14 : i64} {
  func.func @_tp_tc_body(%arg0: i32, %arg1: memref<64x2048xf32, #tpu.memory_space<vmem>>, %arg2: memref<1024x128xf32, #tpu.memory_space<vmem>>) attributes {dimension_semantics = [#tpu.dimension_semantics<arbitrary>], iteration_bounds = array<i64: 489>, scalar_prefetch = 0 : i64, scratch_operands = 0 : i64, tpu.core_type = #tpu.core_type<tc>, window_params = [{transform_indices = @transform_0, window_bounds = array<i64: 64, 2048>}, {transform_indices = @transform_1, window_bounds = array<i64: 1024, 128>}]} {
    %get3A = arith.constant 0 : index
    %get3A_0 = arith.constant 0 : index
    %get3A_1 = vector.load %arg1[%get3A, %get3A_0] : memref<64x2048xf32, #tpu.memory_space<vmem>>, vector<64x2048xf32>
    %transpose3A = tpu.transpose %get3A_1, [1, 0] : vector<64x2048xf32> -> vector<2048x64xf32>
    %reshape3A = vector.shape_cast %transpose3A : vector<2048x64xf32> to vector<1024x2x64xf32>
    %slice3A = vector.extract_strided_slice %reshape3A {offsets = [0, 0, 0], sizes = [1024, 1, 64], strides = [1, 1, 1]} : vector<1024x2x64xf32> to vector<1024x1x64xf32>
    %squeeze3A = vector.shape_cast %slice3A : vector<1024x1x64xf32> to vector<1024x64xf32>
    %swap3A = arith.constant 0 : index
    %swap3A_2 = arith.constant 0 : index
    %swap3A_3 = vector.load %arg2[%swap3A, %swap3A_2] : memref<1024x128xf32, #tpu.memory_space<vmem>>, vector<1024x64xf32>
    tpu.vector_store %arg2[%swap3A, %swap3A_2], %squeeze3A {strides = array<i32>} : memref<1024x128xf32, #tpu.memory_space<vmem>>, vector<1024x64xf32>,
    %slice3A_4 = vector.extract_strided_slice %reshape3A {offsets = [0, 1, 0], sizes = [1024, 1, 64], strides = [1, 1, 1]} : vector<1024x2x64xf32> to vector<1024x1x64xf32>
    %squeeze3A_5 = vector.shape_cast %slice3A_4 : vector<1024x1x64xf32> to vector<1024x64xf32>
    %swap3A_6 = arith.constant 0 : index
    %swap3A_7 = arith.constant 64 : index
    %swap3A_8 = vector.load %arg2[%swap3A_6, %swap3A_7] : memref<1024x128xf32, #tpu.memory_space<vmem>>, vector<1024x64xf32>
    tpu.vector_store %arg2[%swap3A_6, %swap3A_7], %squeeze3A_5 {strides = array<i32>} : memref<1024x128xf32, #tpu.memory_space<vmem>>, vector<1024x64xf32>,
    return
  }
  func.func @transform_0(%arg0: i32) -> (i32, i32) {
    %c0_i32 = arith.constant 0 : i32
    %c0_i32_0 = arith.constant 0 : i32
    return %c0_i32, %arg0 : i32, i32
  }
  func.func @transform_1(%arg0: i32) -> (i32, i32) {
    %c0_i32 = arith.constant 0 : i32
    %c0_i32_0 = arith.constant 0 : i32
    return %arg0, %c0_i32 : i32, i32
  }
}

</mosaic_0001>

<sc_bundles>
// kernel: kernel.4.cloned.1.call-start
scs
__scs_entry_jumppad:
0x0: {  	(pc) =	sbr.rel $0x88, $3  }
0x1: {  	(tag) =	ssettag $0x0;
	lr =	simm.s32 $0x1  }
0x2: {  	[smem:$0x3F9E] =	sst lr;
	_ =	strace $0xD0000000  }
0x3: {  	_ = 	snop  }
0x4: {  	_ = 	snop  }
0x5: {  	_ = 	snop  }
0x6: {  	_ = 	snop  }
0x7: {  	_ = 	snop  }
__scs_overlays_trampoline_lowered:
0x8: {  	[smem:$0x3FAD] =	sst s0  }
0x9: {  	[smem:$0x3FAE] =	sst s1  }
0xa: {  	[smem:$0x3FAF] =	sst s2  }
0xb: {  	[smem:$0x3FB0] =	sst s3  }
0xc: {  	[smem:$0x3FB1] =	sst s4  }
0xd: {  	[smem:$0x3FB2] =	sst s5  }
0xe: {  	[smem:$0x3FB3] =	sst s6  }
0xf: {  	[smem:$0x3FB4] =	sst s7  }
0x10: {  	[smem:$0x3FB5] =	sst s8  }
0x11: {  	[smem:$0x3FB6] =	sst s9;
	s0 =	simm.s32 @!p0 $0x0  }
0x12: {  	s1 =	sld [smem:$0x3F9C];
	s0 =	simm.s32 @p0 $0x1  }
0x13: {  	[smem:$0x3FB7] =	sst s0;
	s0 =	simm.s32 @!p1 $0x0  }
0x14: {  	s2 =	sld [smem:$0x3F9B];
	s0 =	simm.s32 @p1 $0x1  }
0x15: {  	[smem:$0x3FB8] =	sst s0;
	s0 =	simm.s32 @!p2 $0x0  }
0x16: {  	s3 =	sld [smem:$0x3FDB];
	s0 =	simm.s32 @p2 $0x1  }
0x17: {  	s4 =	simm.s32 $0x1BF5;
	[smem:$0x3FBA] =	sst s0  }
0x18: {  	s0 =	sld [smem:$0x3F9D];
	_ =	swait.ge [sflag:s4], $0x0  }
0x19: {  	s7 =	sld [smem:$0x3F9E]  }
0x1a: {  	s8 =	sadd.s32 $0xFFFFE003, lr  }
0x1b: {  	s9 =	sadd.s32 $0xFFFFFEF7, lr;
	s5 =	simm.s32 $0xFFFFFFFF;
	p2 =	slt.u32 s8, $0xFFFFF086  }
0x1c: {  	p1 =	slt.u32 s9, $0xF7A;
	s5 =	simm.s32 @!p2 $0x0  }
0x1d: {  	s5 =	simm.s32 @p1 $0x1;
	p0 =	seq.s32 s7, s2  }
0x1e: {  	s7 =	smul.u32 @!p0 $0xF7A, s2;
	p2 =	seq.s32 @!p0 s5, $0x0  }
0x1f: {  	s9 =	smul.u32 $0xF7A, s1;
	s8 =	simm.s32 @!p0 $0x1BF5;
	p2 =	por !p2, p0  }
0x20: {  	[sflag:s8] =	ssyncset.s32 @!p0 $0xFFFFF086;
	s6 =	sadd.s32 @!p0 s3, s7;
	s7 =	simm.s32 @!p0 $0x108  }
0x21: {  	s3 =	sadd.s32 s3, s9;
	s6 =	sadd.s32 @!p0 $0x88, s6;
	s7 =	simm.s32 @p2 $0x1082  }
0x22: {  	[simem:s7], [sflag:s8] =	dma.local @!p0 [hbm:s6], $0xF7A  }
0x23: {  	s9 =	sor.u32 $0xD0000000, s2;
	s6 =	simm.s32 $0x108;
	_ =	swait.ge @!p0 [sflag:s8], $0x0  }
0x24: {  	s3 =	sadd.s32 $0x88, s3;
	s6 =	simm.s32 @!p1 $0x1082;
	[sflag:s4] =	ssyncset.s32 $0xFFFFF086  }
0x25: {  	[simem:s6], [sflag:s4] =	dma.local [hbm:s3], $0xF7A  }
0x26: {  	[smem:$0x3F9E] =	sst s1;
	(tag) =	ssettag s2;
	_ =	strace s9  }
0x27: {  	s1 =	sld [smem:$0x3FAE]  }
0x28: {  	s2 =	sld [smem:$0x3FAF]  }
0x29: {  	s4 =	sld [smem:$0x3FB1]  }
0x2a: {  	p0 =	seq.s32 s5, $0x0;
	s5 =	sld [smem:$0x3FB2]  }
0x2b: {  	s6 =	sld [smem:$0x3FB3]  }
0x2c: {  	s7 =	sld [smem:$0x3FB4]  }
0x2d: {  	s3 =	simm.s32 $0x108;
	s8 =	sld [smem:$0x3FB5]  }
0x2e: {  	s3 =	simm.s32 @!p0 $0x1082;
	s9 =	sld [smem:$0x3FB6]  }
0x2f: {  	lr =	sadd.s32 s0, s3;
	s0 =	sld [smem:$0x3FAD]  }
0x30: {  	s3 =	sld [smem:$0x3FB0]  }
0x31: {  	[smem:$0x3FB9] =	sst s10  }
0x32: {  	s10 =	sld [smem:$0x3FB7];
	_ =	sdelay $0x3  }
0x33: {  	p0 =	seq.s32 s10, $0x1;
	s10 =	sld [smem:$0x3FB9];
	_ =	sdelay $0x3  }
0x34: {  	[smem:$0x3FB9] =	sst s10  }
0x35: {  	s10 =	sld [smem:$0x3FB8];
	_ =	sdelay $0x3  }
0x36: {  	p1 =	seq.s32 s10, $0x1;
	s10 =	sld [smem:$0x3FB9];
	_ =	sdelay $0x3  }
0x37: {  	[smem:$0x3FB9] =	sst s10  }
0x38: {  	s10 =	sld [smem:$0x3FBA]  }
0x39: {  	_ = 	snop;
	(pc) =	sbr.ind lr, $3  }
0x3a: {  	_ = 	snop  }
0x3b: {  	_ = 	snop  }
0x3c: {  	p2 =	seq.s32 s10, $0x1;
	s10 =	sld [smem:$0x3FB9]  }
0x3d: {  	_ =	shalt  }
0x3e: {  	_ =	shalt  }
0x3f: {  	_ =	shalt  }
0x40: {  	_ =	shalt  }
0x41: {  	_ =	shalt  }
0x42: {  	_ =	shalt  }
0x43: {  	_ =	shalt  }
0x44: {  	_ =	shalt  }
0x45: {  	_ =	shalt  }
0x46: {  	_ =	shalt  }
0x47: {  	_ =	shalt  }
0x48: {  	_ =	shalt  }
0x49: {  	_ =	shalt  }
0x4a: {  	_ =	shalt  }
0x4b: {  	_ =	shalt  }
0x4c: {  	_ =	shalt  }
0x4d: {  	_ =	shalt  }
0x4e: {  	_ =	shalt  }
0x4f: {  	_ =	shalt  }
0x50: {  	_ =	shalt  }
0x51: {  	_ =	shalt  }
0x52: {  	_ =	shalt  }
0x53: {  	_ =	shalt  }
0x54: {  	_ =	shalt  }
0x55: {  	_ =	shalt  }
0x56: {  	_ =	shalt  }
0x57: {  	_ =	shalt  }
0x58: {  	_ =	shalt  }
0x59: {  	_ =	shalt  }
0x5a: {  	_ =	shalt  }
0x5b: {  	_ =	shalt  }
0x5c: {  	_ =	shalt  }
0x5d: {  	_ =	shalt  }
0x5e: {  	_ =	shalt  }
0x5f: {  	_ =	shalt  }
0x60: {  	_ =	shalt  }
0x61: {  	_ =	shalt  }
0x62: {  	_ =	shalt  }
0x63: {  	_ =	shalt  }
0x64: {  	_ =	shalt  }
0x65: {  	_ =	shalt  }
0x66: {  	_ =	shalt  }
0x67: {  	_ =	shalt  }
0x68: {  	_ =	shalt  }
0x69: {  	_ =	shalt  }
0x6a: {  	_ =	shalt  }
0x6b: {  	_ =	shalt  }
0x6c: {  	_ =	shalt  }
0x6d: {  	_ =	shalt  }
0x6e: {  	_ =	shalt  }
0x6f: {  	_ =	shalt  }
0x70: {  	_ =	shalt  }
0x71: {  	_ =	shalt  }
0x72: {  	_ =	shalt  }
0x73: {  	_ =	shalt  }
0x74: {  	_ =	shalt  }
0x75: {  	_ =	shalt  }
0x76: {  	_ =	shalt  }
0x77: {  	_ =	shalt  }
0x78: {  	_ =	shalt  }
0x79: {  	_ =	shalt  }
0x7a: {  	_ =	shalt  }
0x7b: {  	_ =	shalt  }
0x7c: {  	_ =	shalt  }
0x7d: {  	_ =	shalt  }
0x7e: {  	_ =	shalt  }
0x7f: {  	_ =	shalt  }
0x80: {  	_ =	shalt  }
0x81: {  	_ =	shalt  }
0x82: {  	_ =	shalt  }
0x83: {  	_ =	shalt  }
0x84: {  	_ =	shalt  }
0x85: {  	_ =	shalt  }
0x86: {  	_ =	shalt  }
0x87: {  	_ =	shalt  }
.Lfunc_end0:
.L_simem_size_0:
called_computation.1_lowered:
.L_overlay_start_0:
0x88: {  	s2 =	sld [smem:$0x3FD9]  }
0x89: {  	s3 =	sld [smem:$0x3FFE];
	_ =	sdelay $0x1  }
0x8a: {  	s1 =	srdreg.scid  }
0x8b: {  	s0 =	sand.u32 $0x1, s1  }
0x8c: {  	s17 =	sshll.u32 s0, $0xA;
	s2 =	sadd.s32 s3, s2  }
0x8d: {  	s2 =	sadd.s32 s2, s17  }
0x8e: {  	[smem:$0x3FC5] =	sst s2  }
0x8f: {  	_ = 	snop  }
0x90: {  	s2 =	sld [smem:$0x3FD0];
	(tm) =	ssettm $0x1  }
0x91: {  	s18 =	sld [smem:$0x3FFB];
	_ =	sdelay $0x3  }
0x92: {  	_ =	strace s18  }
0x93: {  	s3 =	sld [smem:$0x3FFC];
	_ =	sdelay $0x3  }
0x94: {  	_ =	strace s3  }
0x95: {  	s3 =	sld [smem:$0x3FFD];
	_ =	sdelay $0x3  }
0x96: {  	_ =	strace s3  }
0x97: {  	_ =	strace $0x8FFFFFFF  }
0x98: {  	s19 =	sld [smem:$0x3FDB];
	_ =	sdelay $0x1  }
0x99: {  	s4 =	simm.s32 $_scs_section_size  }
0x9a: {  	s5 =	simm.s32 $_size__tile_overlayer_lowered;
	s6 =	simm.s32 $_tile_overlayer_lowered  }
0x9b: {  	s22 =	simm.s32 $0x1BFF;
	s21 =	sshll.u32 s6, $0x1;
	s3 =	sadd.s32 s4, s19  }
0x9c: {  	s7 =	simm.s32 $0x0;
	s20 =	sshll.u32 s5, $0x1;
	s5 =	sadd.s32 s21, s3  }
0x9d: {  	[timem:s7], [sflag:s22] =	dma.local [hbm:s5], s20  }
0x9e: {  	_ =	swait.ge [sflag:s22], s20  }
0x9f: {  	s4 =	ssub.s32 $0x0, s20;
	[sflag:s22] =	ssyncset.done $0x0  }
0xa0: {  	[sflag:s22] =	ssyncadd.s32 s4;
	_ =	sdelay $0x1  }
0xa1: {  	s23 =	simm.s32 $0x1B8B  }
0xa2: {  	_ =	swait.ge [sflag:s23], $0x1  }
0xa3: {  	[sflag:s23] =	ssyncset.done $0x0  }
0xa4: {  	s25 =	simm.s32 $0x1B8E;
	s24 =	sld [smem:$0x3FFE];
	[sflag:s23] =	ssyncadd.s32 $0xFFFFFFFF  }
0xa5: {  	s26 =	simm.s32 $execute0_lowered;
	[smem:$0x3FD2] =	sst s25  }
0xa6: {  	s5 =	sshll.u32 s26, $0x1;
	_ =	strace $0x80000046;
	[dreg:$0x1] =	wrdreg $0xFFFFFFFF  }
0xa7: {  	s28 =	simm.s32 $_size_execute0_lowered;
	s3 =	sadd.s32 s3, s5;
	[dreg:$0x0] =	wrdreg $0x0  }
0xa8: {  	s5 =	sshll.u32 s28, $0x1;
	[dreg:$0x2] =	wrdreg s3  }
0xa9: {  	[dreg:$0x3] =	wrdreg s5  }
0xaa: {  	[dreg:$0x4] =	wrdreg $0xC0  }
0xab: {  	_ =	task [dreg:s7], $0x5FFFF  }
0xac: {  	[dreg:$0x1] =	wrdreg $0xFFFFFFFF  }
0xad: {  	[dreg:$0x0] =	wrdreg $0x60  }
0xae: {  	[dreg:$0x2] =	wrdreg s2  }
0xaf: {  	[dreg:$0x3] =	wrdreg s24  }
0xb0: {  	[dreg:$0x4] =	wrdreg $0x9  }
0xb1: {  	_ =	task.clear_ibuf [dreg:s7], $0x5FFFF;
	_ =	strace $0x90000046  }
0xb2: {  	s29 =	simm.s32 $0x9;
	_ =	strace $0x80000048  }
0xb3: {  	_ =	swait.ge [sflag:s29], $0x1  }
0xb4: {  	[sflag:s29] =	ssyncadd.s32 $0xFFFFFFFF  }
0xb5: {  	_ =	strace $0x90000048  }
0xb6: {  	_ =	sfence  }
0xb7: {  	s30 =	sld [smem:$0x0];
	_ =	sdelay $0x2  }
0xb8: {  	s31 =	sshll.u32 s1, $0xD;
	s1 =	sshrl.u32 s1, $0x2  }
0xb9: {  	s3 =	sand.u32 $0x4000, s31;
	s1 =	sadd.s32 s1, s30  }
0xba: {  	s0 =	sor.u32 s3, s0;
	s1 =	sshll.u32 s1, $0x11  }
0xbb: {  	s0 =	sor.u32 s1, s0  }
0xbc: {  	s0 =	sadd.s32 $0x8F2B, s0  }
0xbd: {  	[sflag:s0] =	ssyncadd.remote.s32 $0x1  }
0xbe: {  	_ =	sfence.sel $0xFFFF  }
0xbf: {  	[dreg:$0x0] =	wrdreg $0xFFFFFFFF;
	(pc) =	sbr.abs _section_cstart, $3  }
0xc0: {  	[dreg:$0x1] =	wrdreg $0xFFFFFFFF  }
0xc1: {  	_ =	task.clear_ibuf [dreg:s7], $0x2FFFF;
	_ =	strace $0x9FFFFFFF  }
0xc2: {  	(tm) =	ssettm $0x7FFFFFFF  }
0xc3: {  	_ =	shalt  }
tec
execute0_lowered:
.L_overlay_start_1:
0x0: {  	(tag) =	ssettag $0x1  }
0x1: {  	s1 =	rddreg [dreg:$0x0]  }
0x2: {  	s3 =	rddreg [dreg:$0x1]  }
0x3: {  	s0 =	rddreg [dreg:$0x2];
	s2 =	simm.s32 $0x0;
	s4 =	srdreg.scid  }
0x4: {  	s10 =	simm.s32 $0x2;
	s11 =	simm.s32 $0x640;
	s12 =	simm.s32 $0x1  }
0x5: {  	s13 =	simm.s32 $0x40;
	s14 =	simm.s32 $0x80;
	s15 =	simm.s32 $0x0  }
0x6: {  	[smem:$0x7FF] =	sst s2;
	s7 =	sand.u32 $0x1, s4;
	s4 =	sadd.s32 $0x1000, s3  }
0x7: {  	s5 =	sadd.s32 $0x800, s3;
	s6 =	sadd.s32 $0x7A2200, s3;
	s8 =	ssub.s32 $0x2, s7  }
0x8: {  	s3 =	stileid.u32;
	_ =	strace $0x80000047;
	s9 =	sshrl.u32 s8, $0x1  }
0x9: {  	s31 =	sshll.u32 s3, $0x6;
	s7 =	sshll.u32 s7, $0x5;
	s8 =	ssub.s32 s8, s9  }
0xa: {  	s7 =	sor.u32 s7, s31;
	s9 =	simm.s32 $0x19640;
	s8 =	smax.u32 s8, $0x1  }
.LBB2_1:
0xb: {  	[tilespmem:s9], [sflag:$0x2] =	stream.linear.gather [hbm4b:s5+s2], $0x3200, $0x38;
	[tilespmem:$0x1C840] =	vst v63  }
0xc: {  	_ =	swait.ge [sflag:s10], $0x3200  }
0xd: {  	[sflag:s10] =	ssyncset.done $0x0  }
0xe: {  	s16 =	simm.s32 $0x0;
	[sflag:s10] =	ssyncadd.s32 $0xFFFFCE00  }
.LBB2_2:
0xf: {  	s17 =	sshll.u32 s16, $0x3  }
0x10: {  	s17 =	sadd.s32 s7, s17  }
0x11: {  	s18 =	smul.u32 $0x19, s17;
	_ =	sdelay $0x1  }
0x12: {  	s19 =	simm.s32 $0x0;
	s18 =	sadd.s32 s1, s18  }
0x13: {  	[tilespmem:s19], [sflag:$0x2] =	stream.linear.gather [hbm4b:s18+s19], $0x640, $0x38;
	[tilespmem:$0x1C840] =	vst v63  }
0x14: {  	_ =	swait.ge [sflag:s10], $0x640  }
0x15: {  	[sflag:s10] =	ssyncset.done $0x0  }
0x16: {  	[sflag:s10] =	ssyncadd.s32 $0xFFFFF9C0  }
0x17: {  	[tilespmem:s11], [sflag:$0x1] =	stream.indirect.gather [hbm4b:s4+s11], $0x40, s19, s11, $0xb8;
	[tilespmem:$0x1C840] =	vst v63  }
0x18: {  	_ =	swait.ge [sflag:s12], $0x19000  }
0x19: {  	[sflag:s12] =	ssyncset.done $0x0  }
0x1a: {  	s18 =	simm.s32 $0x0;
	[sflag:s12] =	ssyncadd.s32 $0xFFFE7000  }
0x1b: {  	v6 =	vld [tilespmem:s18+$0x19640]  }
0x1c: {  	v7 =	vld [tilespmem:s18+$0x19650]  }
0x1d: {  	v8 =	vld [tilespmem:s18+$0x19660]  }
0x1e: {  	v9 =	vld [tilespmem:s18+$0x19670]  }
0x1f: {  	v10 =	vld [tilespmem:s18+$0x19640]  }
0x20: {  	v11 =	vld [tilespmem:s18+$0x19650]  }
0x21: {  	v12 =	vld [tilespmem:s18+$0x19660]  }
0x22: {  	v13 =	vld [tilespmem:s18+$0x19670]  }
0x23: {  	v14 =	vld [tilespmem:s18+$0x19640]  }
0x24: {  	v15 =	vld [tilespmem:s18+$0x19650]  }
0x25: {  	v16 =	vld [tilespmem:s18+$0x19660]  }
0x26: {  	v17 =	vld [tilespmem:s18+$0x19670]  }
0x27: {  	v18 =	vld [tilespmem:s18+$0x19640]  }
0x28: {  	v19 =	vld [tilespmem:s18+$0x19650]  }
0x29: {  	v20 =	vld [tilespmem:s18+$0x19660]  }
0x2a: {  	v21 =	vld [tilespmem:s18+$0x19670]  }
0x2b: {  	v22 =	vld [tilespmem:s18+$0x19640]  }
0x2c: {  	v23 =	vld [tilespmem:s18+$0x19650]  }
0x2d: {  	v24 =	vld [tilespmem:s18+$0x19660]  }
0x2e: {  	v25 =	vld [tilespmem:s18+$0x19670]  }
0x2f: {  	v26 =	vld [tilespmem:s18+$0x19640]  }
0x30: {  	v27 =	vld [tilespmem:s18+$0x19650]  }
0x31: {  	v5 =	vld [tilespmem:s18+$0x19660]  }
0x32: {  	v4 =	vld [tilespmem:s18+$0x19670]  }
0x33: {  	v3 =	vld [tilespmem:s18+$0x19640]  }
0x34: {  	v2 =	vld [tilespmem:s18+$0x19650]  }
0x35: {  	v1 =	vld [tilespmem:s18+$0x19660]  }
0x36: {  	v0 =	vld [tilespmem:s18+$0x19670]  }
0x37: {  	v28 =	vld [tilespmem:s18+$0x640]  }
0x38: {  	v29 =	vld [tilespmem:s18+$0x650]  }
0x39: {  	v30 =	vld [tilespmem:s18+$0x660]  }
0x3a: {  	v31 =	vld [tilespmem:s18+$0x670]  }
0x3b: {  	v32 =	vld [tilespmem:s18+$0x3840]  }
0x3c: {  	v33 =	vld [tilespmem:s18+$0x3850];
	v28 =	vadd.f32 v6, v28  }
0x3d: {  	v34 =	vld [tilespmem:s18+$0x3860];
	v29 =	vadd.f32 v7, v29  }
0x3e: {  	v60 =	vld [tilespmem:s18+$0x3870];
	v30 =	vadd.f32 v8, v30;
	[tilespmem:s18+$0x640] =	vst v28  }
0x3f: {  	v61 =	vld [tilespmem:s18+$0x6A40];
	v31 =	vadd.f32 v9, v31;
	[tilespmem:s18+$0x650] =	vst v29  }
0x40: {  	v62 =	vld [tilespmem:s18+$0x6A50];
	v6 =	vadd.f32 v6, v32;
	[tilespmem:s18+$0x660] =	vst v30  }
0x41: {  	v63 =	vld [tilespmem:s18+$0x6A60];
	v7 =	vadd.f32 v7, v33;
	[tilespmem:s18+$0x670] =	vst v31  }
0x42: {  	v8 =	vadd.f32 v8, v34;
	[tilespmem:s18+$0x3840] =	vst v6;
	v6 =	vld [tilespmem:s18+$0x6A70]  }
0x43: {  	v9 =	vadd.f32 v9, v60;
	[tilespmem:s18+$0x3850] =	vst v7;
	v7 =	vld [tilespmem:s18+$0x9C40]  }
0x44: {  	v10 =	vadd.f32 v10, v61;
	[tilespmem:s18+$0x3860] =	vst v8;
	v8 =	vld [tilespmem:s18+$0x9C50]  }
0x45: {  	v11 =	vadd.f32 v11, v62;
	[tilespmem:s18+$0x3870] =	vst v9;
	v9 =	vld [tilespmem:s18+$0x9C60]  }
0x46: {  	v12 =	vadd.f32 v12, v63;
	[tilespmem:s18+$0x6A40] =	vst v10;
	v10 =	vld [tilespmem:s18+$0x9C70]  }
0x47: {  	[tilespmem:s18+$0x6A50] =	vst v11;
	v11 =	vld [tilespmem:s18+$0xCE40];
	v6 =	vadd.f32 v13, v6  }
0x48: {  	[tilespmem:s18+$0x6A60] =	vst v12;
	v12 =	vld [tilespmem:s18+$0xCE50];
	v7 =	vadd.f32 v14, v7  }
0x49: {  	v8 =	vadd.f32 v15, v8;
	[tilespmem:s18+$0x6A70] =	vst v6;
	v6 =	vld [tilespmem:s18+$0xCE60]  }
0x4a: {  	v9 =	vadd.f32 v16, v9;
	[tilespmem:s18+$0x9C40] =	vst v7;
	v7 =	vld [tilespmem:s18+$0xCE70]  }
0x4b: {  	v10 =	vadd.f32 v17, v10;
	[tilespmem:s18+$0x9C50] =	vst v8;
	v8 =	vld [tilespmem:s18+$0x10040]  }
0x4c: {  	v11 =	vadd.f32 v18, v11;
	[tilespmem:s18+$0x9C60] =	vst v9;
	v9 =	vld [tilespmem:s18+$0x10050]  }
0x4d: {  	v12 =	vadd.f32 v19, v12;
	[tilespmem:s18+$0x9C70] =	vst v10;
	v10 =	vld [tilespmem:s18+$0x10060]  }
0x4e: {  	[tilespmem:s18+$0xCE40] =	vst v11;
	v11 =	vld [tilespmem:s18+$0x10070];
	v6 =	vadd.f32 v20, v6  }
0x4f: {  	[tilespmem:s18+$0xCE50] =	vst v12;
	v12 =	vld [tilespmem:s18+$0x13240];
	v7 =	vadd.f32 v21, v7  }
0x50: {  	v13 =	vld [tilespmem:s18+$0x13250];
	[tilespmem:s18+$0xCE60] =	vst v6;
	v6 =	vadd.f32 v22, v8  }
0x51: {  	[tilespmem:s18+$0xCE70] =	vst v7;
	v7 =	vld [tilespmem:s18+$0x13260];
	v8 =	vadd.f32 v23, v9  }
0x52: {  	v9 =	vadd.f32 v24, v10;
	[tilespmem:s18+$0x10040] =	vst v6;
	v6 =	vld [tilespmem:s18+$0x13270]  }
0x53: {  	v10 =	vadd.f32 v25, v11;
	[tilespmem:s18+$0x10050] =	vst v8;
	v8 =	vld [tilespmem:s18+$0x16440]  }
0x54: {  	v12 =	vadd.f32 v26, v12;
	[tilespmem:s18+$0x10060] =	vst v9;
	v9 =	vld [tilespmem:s18+$0x16450]  }
0x55: {  	s19 =	simm.s32 $0x100;
	v11 =	vadd.f32 v27, v13;
	[tilespmem:s18+$0x10070] =	vst v10;
	v10 =	vld [tilespmem:s18+$0x16460]  }
.LBB2_3:
0x56: {  	s20 =	sshra.s32 s19, $0x2;
	p0 =	sne.s32 s19, $0xC700;
	[tilespmem:s18+$0x13240] =	vst v12;
	v5 =	vadd.f32 v5, v7;
	v7 =	vld [tilespmem:s18+$0x16470]  }
0x57: {  	v12 =	vld [tilespmem:s20+$0x19640];
	[tilespmem:s18+$0x13250] =	vst v11;
	v4 =	vadd.f32 v4, v6  }
0x58: {  	v6 =	vld [tilespmem:s20+$0x19650];
	[tilespmem:s18+$0x13260] =	vst v5;
	v3 =	vadd.f32 v3, v8  }
0x59: {  	v8 =	vld [tilespmem:s20+$0x19660];
	[tilespmem:s18+$0x13270] =	vst v4;
	v2 =	vadd.f32 v2, v9  }
0x5a: {  	v9 =	vld [tilespmem:s20+$0x19670];
	[tilespmem:s18+$0x16440] =	vst v3;
	v1 =	vadd.f32 v1, v10  }
0x5b: {  	v10 =	vld [tilespmem:s20+$0x19640];
	[tilespmem:s18+$0x16450] =	vst v2;
	v0 =	vadd.f32 v0, v7  }
0x5c: {  	v7 =	vld [tilespmem:s20+$0x19650];
	[tilespmem:s18+$0x16460] =	vst v1  }
0x5d: {  	v11 =	vld [tilespmem:s20+$0x19660];
	[tilespmem:s18+$0x16470] =	vst v0;
	s18 =	smov.u32 s20  }
0x5e: {  	v13 =	vld [tilespmem:s18+$0x19670]  }
0x5f: {  	v14 =	vld [tilespmem:s18+$0x19640]  }
0x60: {  	v15 =	vld [tilespmem:s18+$0x19650]  }
0x61: {  	v16 =	vld [tilespmem:s18+$0x19660]  }
0x62: {  	v17 =	vld [tilespmem:s18+$0x19670]  }
0x63: {  	v18 =	vld [tilespmem:s18+$0x19640]  }
0x64: {  	v19 =	vld [tilespmem:s18+$0x19650]  }
0x65: {  	v20 =	vld [tilespmem:s18+$0x19660]  }
0x66: {  	v21 =	vld [tilespmem:s18+$0x19670]  }
0x67: {  	v22 =	vld [tilespmem:s18+$0x19640]  }
0x68: {  	v23 =	vld [tilespmem:s18+$0x19650]  }
0x69: {  	v24 =	vld [tilespmem:s18+$0x19660]  }
0x6a: {  	v25 =	vld [tilespmem:s18+$0x19670]  }
0x6b: {  	v26 =	vld [tilespmem:s18+$0x19640]  }
0x6c: {  	v27 =	vld [tilespmem:s18+$0x19650]  }
0x6d: {  	v5 =	vld [tilespmem:s18+$0x19660]  }
0x6e: {  	v4 =	vld [tilespmem:s18+$0x19670]  }
0x6f: {  	v3 =	vld [tilespmem:s18+$0x19640]  }
0x70: {  	v2 =	vld [tilespmem:s18+$0x19650]  }
0x71: {  	v1 =	vld [tilespmem:s18+$0x19660]  }
0x72: {  	v0 =	vld [tilespmem:s18+$0x19670]  }
0x73: {  	v28 =	vld [tilespmem:s18+$0x640]  }
0x74: {  	v29 =	vld [tilespmem:s18+$0x650]  }
0x75: {  	v30 =	vld [tilespmem:s18+$0x660]  }
0x76: {  	v31 =	vld [tilespmem:s18+$0x670]  }
0x77: {  	v32 =	vld [tilespmem:s18+$0x3840]  }
0x78: {  	v28 =	vadd.f32 v12, v28;
	v33 =	vld [tilespmem:s18+$0x3850]  }
0x79: {  	v29 =	vadd.f32 v6, v29;
	v34 =	vld [tilespmem:s18+$0x3860]  }
0x7a: {  	[tilespmem:s18+$0x640] =	vst v28;
	v28 =	vadd.f32 v8, v30;
	v30 =	vld [tilespmem:s18+$0x3870]  }
0x7b: {  	[tilespmem:s18+$0x650] =	vst v29;
	v29 =	vadd.f32 v9, v31;
	v31 =	vld [tilespmem:s18+$0x6A40]  }
0x7c: {  	[tilespmem:s18+$0x660] =	vst v28;
	v12 =	vadd.f32 v12, v32;
	v28 =	vld [tilespmem:s18+$0x6A50]  }
0x7d: {  	[tilespmem:s18+$0x670] =	vst v29;
	v6 =	vadd.f32 v6, v33;
	v29 =	vld [tilespmem:s18+$0x6A60]  }
0x7e: {  	[tilespmem:s18+$0x3840] =	vst v12;
	v8 =	vadd.f32 v8, v34;
	v12 =	vld [tilespmem:s18+$0x6A70]  }
0x7f: {  	[tilespmem:s18+$0x3850] =	vst v6;
	v6 =	vadd.f32 v9, v30;
	v9 =	vld [tilespmem:s18+$0x9C40]  }
0x80: {  	[tilespmem:s18+$0x3860] =	vst v8;
	v8 =	vadd.f32 v10, v31;
	v10 =	vld [tilespmem:s18+$0x9C50]  }
0x81: {  	[tilespmem:s18+$0x3870] =	vst v6;
	v6 =	vadd.f32 v7, v28;
	v7 =	vld [tilespmem:s18+$0x9C60]  }
0x82: {  	[tilespmem:s18+$0x6A40] =	vst v8;
	v8 =	vadd.f32 v11, v29;
	v11 =	vld [tilespmem:s18+$0x9C70]  }
0x83: {  	[tilespmem:s18+$0x6A50] =	vst v6;
	v6 =	vadd.f32 v13, v12;
	v12 =	vld [tilespmem:s18+$0xCE40]  }
0x84: {  	[tilespmem:s18+$0x6A60] =	vst v8;
	v8 =	vadd.f32 v14, v9;
	v9 =	vld [tilespmem:s18+$0xCE50]  }
0x85: {  	[tilespmem:s18+$0x6A70] =	vst v6;
	v6 =	vadd.f32 v15, v10;
	v10 =	vld [tilespmem:s18+$0xCE60]  }
0x86: {  	[tilespmem:s18+$0x9C40] =	vst v8;
	v7 =	vadd.f32 v16, v7;
	v8 =	vld [tilespmem:s18+$0xCE70]  }
0x87: {  	[tilespmem:s18+$0x9C50] =	vst v6;
	v6 =	vadd.f32 v17, v11;
	v11 =	vld [tilespmem:s18+$0x10040]  }
0x88: {  	[tilespmem:s18+$0x9C60] =	vst v7;
	v7 =	vadd.f32 v18, v12;
	v12 =	vld [tilespmem:s18+$0x10050]  }
0x89: {  	[tilespmem:s18+$0x9C70] =	vst v6;
	v6 =	vadd.f32 v19, v9;
	v9 =	vld [tilespmem:s18+$0x10060]  }
0x8a: {  	[tilespmem:s18+$0xCE40] =	vst v7;
	v7 =	vadd.f32 v20, v10;
	v10 =	vld [tilespmem:s18+$0x10070]  }
0x8b: {  	[tilespmem:s18+$0xCE50] =	vst v6;
	v6 =	vadd.f32 v21, v8;
	v13 =	vld [tilespmem:s18+$0x13240]  }
0x8c: {  	[tilespmem:s18+$0xCE60] =	vst v7;
	v8 =	vadd.f32 v22, v11;
	v11 =	vld [tilespmem:s18+$0x13250]  }
.Ltmp0:
0x8d: {  	[tilespmem:s18+$0xCE70] =	vst v6;
	v12 =	vadd.f32 v23, v12;
	v7 =	vld [tilespmem:s18+$0x13260];
	(pc) =	sbr.rel @p0 .LBB2_3-.Ltmp0, $4  }
0x8e: {  	[tilespmem:s18+$0x10040] =	vst v8;
	v9 =	vadd.f32 v24, v9;
	v6 =	vld [tilespmem:s18+$0x13270]  }
0x8f: {  	[tilespmem:s18+$0x10050] =	vst v12;
	v10 =	vadd.f32 v25, v10;
	v8 =	vld [tilespmem:s18+$0x16440]  }
0x90: {  	[tilespmem:s18+$0x10060] =	vst v9;
	v12 =	vadd.f32 v26, v13;
	v9 =	vld [tilespmem:s18+$0x16450]  }
0x91: {  	s19 =	sadd.s32 $0x100, s19;
	[tilespmem:s18+$0x10070] =	vst v10;
	v11 =	vadd.f32 v27, v11;
	v10 =	vld [tilespmem:s18+$0x16460]  }
0x92: {  	[tilespmem:s18+$0x13240] =	vst v12;
	v5 =	vadd.f32 v5, v7;
	v63 =	vld [tilespmem:s18+$0x16470]  }
0x93: {  	[tilespmem:s18+$0x13250] =	vst v11;
	v4 =	vadd.f32 v4, v6  }
0x94: {  	[tilespmem:s18+$0x13260] =	vst v5;
	v3 =	vadd.f32 v3, v8  }
0x95: {  	[tilespmem:s18+$0x13270] =	vst v4;
	v2 =	vadd.f32 v2, v9  }
0x96: {  	[tilespmem:s18+$0x16440] =	vst v3;
	v1 =	vadd.f32 v1, v10  }
0x97: {  	s17 =	smul.u32 $0xC80, s17;
	s16 =	sadd.s32 $0x1, s16;
	[tilespmem:s18+$0x16450] =	vst v2;
	v0 =	vadd.f32 v0, v63  }
0x98: {  	p0 =	sne.s32 s16, $0x4;
	[tilespmem:s18+$0x16460] =	vst v1  }
.Ltmp1:
0x99: {  	s17 =	sadd.s32 s6, s17;
	[tilespmem:s18+$0x16470] =	vst v0;
	(pc) =	sbr.rel @p0 .LBB2_2-.Ltmp1, $4  }
0x9a: {  	[hbm4b:s17+s13] =	stream.strided.scatter [tilespmem:s11], [sflag:$0x2], $0x19000, s14, s13, $0x38;
	[tilespmem:$0x1C840] =	vst v63  }
0x9b: {  	_ =	swait.ge [sflag:s10], $0x19000  }
0x9c: {  	[sflag:s10] =	ssyncset.done $0x0  }
0x9d: {  	[sflag:s10] =	ssyncadd.s32 $0xFFFE7000  }
0x9e: {  	s15 =	sadd.s32 $0x1, s15  }
0x9f: {  	p0 =	sne.s32 s15, s8  }
.Ltmp2:
0xa0: {  	_ = 	snop;
	(pc) =	sbr.rel @p0 .LBB2_1-.Ltmp2, $1  }
0xa1: {  	_ =	sdelay $0x3  }
0xa2: {  	_ =	sfence.sel $0x180000  }
0xa3: {  	[bflag:$0x0] =	sbarrier.arrive $0xFFFF  }
0xa4: {  	p0 =	sne.s32 s3, $0x0;
	_ =	strace $0x90000047  }
0xa5: {  	s0 =	sadd.s32 @!p0 $0x100000, s0;
	[bflag:$0x2] =	sbarrier.arrive $0xFFFF  }
0xa6: {  	[sflag:s0] =	ssyncadd.tile.s32 @!p0 $0x1;
	_ =	shalt  }
.Lfunc_end2:
_tile_overlayer_lowered:
.L_overlay_start_2:
0xa7: {  	(tag) =	ssettag $0x2  }
0xa8: {  	s0 =	rddreg [dreg:$0x0];
	s2 =	stileid.u32  }
0xa9: {  	s1 =	rddreg [dreg:$0x1];
	p0 =	sne.s32 s2, $0x0  }
0xaa: {  	s3 =	rddreg [dreg:$0x2];
	[bflag:$0x3] =	sbarrier.arrive $0xFFFF;
	s2 =	simm.s32 @!p0 $0x1C02  }
0xab: {  	[timem:s3], [sflag:s2] =	dma.local @!p0 [hbm:s0], s1  }
0xac: {  	s0 =	simm.s32 @!p0 $0x2  }
0xad: {  	_ =	swait.ge @!p0 [sflag:s0], s1  }
0xae: {  	s1 =	ssub.s32 @!p0 $0x0, s1;
	[sflag:s0] =	ssyncset.done @!p0 $0x0  }
0xaf: {  	[sflag:s0] =	ssyncadd.s32 @!p0 s1  }
0xb0: {  	[bflag:$0x3] =	sbarrier.arrive $0xFFFF  }
0xb1: {  	_ =	shalt  }

// kernel: sparse-core-data-format-call.cloned.1.call-start
scs
called_computation_lowered:
.L_overlay_start_0:
0x0: {  	s2 =	sld [smem:$0x3FD9]  }
0x1: {  	s3 =	sld [smem:$0x3FFE];
	_ =	sdelay $0x1  }
0x2: {  	s1 =	srdreg.scid  }
0x3: {  	s0 =	sand.u32 $0x1, s1  }
0x4: {  	s18 =	sshll.u32 s0, $0xA;
	s2 =	sadd.s32 s3, s2  }
0x5: {  	s2 =	sadd.s32 s2, s18  }
0x6: {  	[smem:$0x3FC5] =	sst s2  }
0x7: {  	_ = 	snop  }
0x8: {  	s2 =	sld [smem:$0x3FD0];
	(tm) =	ssettm $0x1  }
0x9: {  	s19 =	sld [smem:$0x3FFB];
	_ =	sdelay $0x3  }
0xa: {  	_ =	strace s19  }
0xb: {  	s3 =	sld [smem:$0x3FFC];
	_ =	sdelay $0x3  }
0xc: {  	_ =	strace s3  }
0xd: {  	s3 =	sld [smem:$0x3FFD];
	_ =	sdelay $0x3  }
0xe: {  	_ =	strace s3  }
0xf: {  	_ =	strace $0x8FFFFFFF  }
0x10: {  	s20 =	sld [smem:$0x3FDB];
	_ =	sdelay $0x1  }
0x11: {  	s4 =	simm.s32 $_scs_section_size  }
0x12: {  	s5 =	simm.s32 $_size__tile_overlayer_lowered;
	s6 =	simm.s32 $_tile_overlayer_lowered  }
0x13: {  	s23 =	simm.s32 $0x1BFF;
	s22 =	sshll.u32 s6, $0x1;
	s3 =	sadd.s32 s4, s20  }
0x14: {  	s7 =	simm.s32 $0x0;
	s21 =	sshll.u32 s5, $0x1;
	s5 =	sadd.s32 s22, s3  }
0x15: {  	[timem:s7], [sflag:s23] =	dma.local [hbm:s5], s21  }
0x16: {  	_ =	swait.ge [sflag:s23], s21  }
0x17: {  	s4 =	ssub.s32 $0x0, s21;
	[sflag:s23] =	ssyncset.done $0x0  }
0x18: {  	[sflag:s23] =	ssyncadd.s32 s4;
	_ =	sdelay $0x1  }
0x19: {  	s24 =	simm.s32 $0x1B8B  }
0x1a: {  	_ =	swait.ge [sflag:s24], $0x1  }
0x1b: {  	[sflag:s24] =	ssyncset.done $0x0  }
0x1c: {  	s26 =	simm.s32 $0x1B8E;
	s25 =	sld [smem:$0x3FFE];
	[sflag:s24] =	ssyncadd.s32 $0xFFFFFFFF  }
0x1d: {  	s27 =	simm.s32 $execute0_lowered;
	[smem:$0x3FD2] =	sst s26  }
0x1e: {  	s5 =	sshll.u32 s27, $0x1;
	_ =	strace $0x80000049;
	[dreg:$0x1] =	wrdreg $0xFFFFFFFF  }
0x1f: {  	s28 =	simm.s32 $_size_execute0_lowered;
	s3 =	sadd.s32 s3, s5;
	[dreg:$0x0] =	wrdreg $0x0  }
0x20: {  	s5 =	sshll.u32 s28, $0x1;
	[dreg:$0x2] =	wrdreg s3  }
0x21: {  	[dreg:$0x3] =	wrdreg s5  }
0x22: {  	[dreg:$0x4] =	wrdreg $0xC0  }
0x23: {  	_ =	task [dreg:s7], $0x5FFFF  }
0x24: {  	[dreg:$0x1] =	wrdreg $0xFFFFFFFF  }
0x25: {  	[dreg:$0x0] =	wrdreg $0x60  }
0x26: {  	[dreg:$0x2] =	wrdreg s25  }
0x27: {  	[dreg:$0x3] =	wrdreg s2  }
0x28: {  	[dreg:$0x4] =	wrdreg $0x9  }
0x29: {  	_ =	task.clear_ibuf [dreg:s7], $0x5FFFF;
	_ =	strace $0x90000049  }
0x2a: {  	s29 =	simm.s32 $0x9;
	_ =	strace $0x8000004B  }
0x2b: {  	_ =	swait.ge [sflag:s29], $0x1  }
0x2c: {  	[sflag:s29] =	ssyncadd.s32 $0xFFFFFFFF  }
0x2d: {  	_ =	strace $0x9000004B  }
0x2e: {  	_ =	sfence  }
0x2f: {  	s30 =	sld [smem:$0x0];
	_ =	sdelay $0x2  }
0x30: {  	s31 =	sshll.u32 s1, $0xD;
	s1 =	sshrl.u32 s1, $0x2  }
0x31: {  	s3 =	sand.u32 $0x4000, s31;
	s1 =	sadd.s32 s1, s30  }
0x32: {  	s0 =	sor.u32 s3, s0;
	s1 =	sshll.u32 s1, $0x11  }
0x33: {  	s0 =	sor.u32 s1, s0  }
0x34: {  	s0 =	sadd.s32 $0x8F2B, s0  }
0x35: {  	[sflag:s0] =	ssyncadd.remote.s32 $0x1  }
0x36: {  	_ =	sfence.sel $0xFFFF  }
0x37: {  	[dreg:$0x0] =	wrdreg $0xFFFFFFFF;
	(pc) =	sbr.abs _section_cstart, $3  }
0x38: {  	[dreg:$0x1] =	wrdreg $0xFFFFFFFF  }
0x39: {  	_ =	task.clear_ibuf [dreg:s7], $0x2FFFF;
	_ =	strace $0x9FFFFFFF  }
0x3a: {  	(tm) =	ssettm $0x7FFFFFFF  }
0x3b: {  	_ =	shalt  }
tec
execute0_lowered:
.L_overlay_start_1:
0x0: {  	(tag) =	ssettag $0x1  }
0x1: {  	s0 =	stileid.u32;
	s6 =	rddreg [dreg:$0x0]  }
0x2: {  	s2 =	rddreg [dreg:$0x1];
	s5 =	srdreg.scid  }
0x3: {  	s31 =	simm.s32 $0x2;
	s13 =	simm.s32 $0x0;
	s1 =	sshll.u32 s0, $0x7  }
0x4: {  	s14 =	simm.s32 $0x0;
	s12 =	simm.s32 $0x0;
	s3 =	sand.u32 $0x380, s1  }
0x5: {  	s5 =	sshll.u32 s5, $0x4;
	s6 =	sadd.s32 $0x7A2200, s6;
	s4 =	ssub.s32 $0x400, s3  }
0x6: {  	s1 =	rddreg [dreg:$0x2];
	_ =	strace $0x8000004A;
	s7 =	sand.u32 $0x380, s4  }
0x7: {  	s5 =	sand.u32 $0x10, s5;
	p0 =	sne.s32 s7, $0x0;
	s7 =	simm.s32 $0x1  }
.Ltmp0:
0x8: {  	s8 =	sshrl.u32 s4, $0xA;
	s7 =	simm.s32 @!p0 $0x0;
	(pc) =	sbr.rel .LBB1_1-.Ltmp0, $4  }
0x9: {  	s9 =	sor.u32 s0, s5;
	s4 =	simm.s32 $0x1;
	s30 =	sadd.s32 s7, s8  }
0xa: {  	s11 =	smov.u32 s3;
	[sflag:s4] =	ssyncpa.u1 $0x0;
	s5 =	smul.u32 $0x32, s30  }
0xb: {  	[sflag:s31] =	ssyncpa.u1 $0x0;
	p0 =	por $0x0, $0x0;
	s7 =	sshrl.u32 s9, $0x3  }
0xc: {  	s9 =	simm.s32 $0x2000;
	s10 =	smov.u32 s7;
	s8 =	sor.u32 $0x1, s5  }
.LBB1_4:
0xd: {  	s17 =	sand.u32 $0x1F80, s14;
	s13 =	sshll.u32 s13, $0xD  }
0xe: {  	[tilespmem:s16+$0x810 ss:$0x81] =	vst.msk $0xffff, v2;
	s18 =	sshrl.u32 s14, $0x3;
	s31 =	sand.u32 $0x7, s14;
	s17 =	sadd.s32 s2, s17  }
0xf: {  	[tilespmem:s16+$0x1020 ss:$0x81] =	vst.msk $0xffff, v0;
	s18 =	sand.u32 $0xF, s18;
	s14 =	sshll.u32 s31, $0x12;
	s13 =	sadd.s32 s13, s17  }
0x10: {  	[tilespmem:s16+$0x0 ss:$0x81] =	vst.msk $0xffff, v1;
	s14 =	sor.u32 $0x400, s14;
	s13 =	sadd.s32 s18, s13  }
0x11: {  	[hbm4b:s13+s14] =	stream.strided.scatter [tilespmem:s15], [sflag:$0x2], $0x2000, s9, s14, $0x20;
	[tilespmem:$0x8080] =	vst v63  }
.LBB1_5:
0x12: {  	s15 =	sadd.s32 $0x4, s10  }
0x13: {  	s13 =	sadd.s32 $0x400, s11;
	s17 =	smov.u32 s11;
	p2 =	sgt.s32 s15, $0xC7  }
0x14: {  	s17 =	smov.u32 @p2 s13  }
0x15: {  	s15 =	smov.u32 @p2 s7;
	p2 =	sgt.s32 s17, $0x3FF  }
0x16: {  	s17 =	smov.u32 @p2 s3;
	p2 =	sne.s32 s12, s8  }
.Ltmp1:
0x17: {  	p1 =	slt.u32 s12, $0x2;
	(pc) =	sbr.rel @!p2 .LBB1_6-.Ltmp1, $4  }
0x18: {  	s16 =	simm.s32 @!p1 $0x2  }
0x19: {  	s14 =	smov.u32 s11;
	p0 =	por !p0, !p0;
	_ =	swait.ge @!p1 [sflag:s16], $0x2000  }
0x1a: {  	s13 =	smov.u32 s10;
	[sflag:s16] =	ssyncset.done @!p1 $0x0;
	s10 =	smov.u32 s15  }
0x1b: {  	s12 =	sadd.s32 $0x1, s12;
	[sflag:s16] =	ssyncadd.s32 @!p1 $0xFFFFE000;
	s11 =	smov.u32 s17  }
.LBB1_1:
0x1c: {  	p1 =	sge.u32 s12, s5  }
0x1d: {  	s15 =	sand.u32 @!p1 $0x1FFFFFF, s10  }
0x1e: {  	s16 =	smulhi.u32 @!p1 $0x147AE15, s15;
	_ =	sdelay $0x1  }
0x1f: {  	s16 =	smul.u32 @!p1 $0xC8, s16  }
0x20: {  	s17 =	sxor.u32 @!p1 $0xFFFFFFFF, s12;
	s18 =	smul.u32 @!p1 $0xC80, s11  }
0x21: {  	s31 =	sadd.s32 $0xFFFFFFFF, s12;
	s17 =	sshll.u32 @!p1 s17, $0xD;
	s15 =	ssub.s32 @!p1 s15, s16  }
0x22: {  	s16 =	sand.u32 @!p1 $0x2000, s17;
	s17 =	sadd.s32 @!p1 s6, s18;
	s15 =	sshll.u32 @!p1 s15, $0x4  }
0x23: {  	s18 =	simm.s32 @!p1 $0x6400;
	s15 =	sadd.s32 @!p1 s15, s17;
	s17 =	simm.s32 @!p1 $0x40  }
0x24: {  	[tilespmem:s16], [sflag:$0x1] =	stream.strided.gather @!p1 [hbm4b:s15+s17], $0x2000, s18, s17, $0x38;
	[tilespmem:$0x8080] =	vst v63  }
0x25: {  	p1 =	sge.u32 s31, s5  }
.Ltmp2:
0x26: {  	_ = 	snop;
	(pc) =	sbr.rel @p1 .LBB1_5-.Ltmp2, $1  }
0x27: {  	_ =	sdelay $0x3  }
0x28: {  	s15 =	simm.s32 $0x1  }
0x29: {  	_ =	swait.ge [sflag:s4], $0x2000;
	s15 =	simm.s32 @!p0 $0x0  }
0x2a: {  	[sflag:s4] =	ssyncset.done $0x0;
	s16 =	sshll.u32 s15, $0xD  }
0x2b: {  	[sflag:s4] =	ssyncadd.s32 $0xFFFFE000;
	s19 =	sor.u32 $0x20, s16  }
0x2c: {  	s15 =	smul.u32 $0x8100, s15;
	v3 =	vld [tilespmem:s19+$0x10]  }
0x2d: {  	s30 =	sand.u32 $0x1, s12;
	v2 =	vld [tilespmem:s19+$0xFFFFFFF0]  }
0x2e: {  	s16 =	smul.u32 $0x8100, s30;
	s15 =	sshrl.u32 s15, $0x2;
	v0 =	vld [tilespmem:s19+$0x0]  }
0x2f: {  	v1 =	vld [tilespmem:s19+$0xFFFFFFE0];
	s17 =	sor.u32 $0x4000, s15  }
0x30: {  	s31 =	sshrl.u32 s16, $0x2;
	s16 =	sadd.s32 $0x0, s17  }
0x31: {  	s18 =	simm.s32 $0x4;
	s19 =	sadd.s32 $0x40, s19;
	s15 =	sor.u32 $0x4000, s31;
	[tilespmem:s16+$0x1830 ss:$0x81] =	vst.msk $0xffff, v3  }
.LBB1_3:
0x32: {  	v3 =	vld [tilespmem:s19+$0x10];
	p1 =	sne.s32 s18, $0x1FC;
	[tilespmem:s16+$0x810 ss:$0x81] =	vst.msk $0xffff, v2;
	s20 =	smov.u32 s18;
	s18 =	sadd.s32 $0x4, s18  }
.Ltmp3:
0x33: {  	v2 =	vld [tilespmem:s19+$0xFFFFFFF0];
	[tilespmem:s16+$0x1020 ss:$0x81] =	vst.msk $0xffff, v0;
	(pc) =	sbr.rel @p1 .LBB1_3-.Ltmp3, $4  }
0x34: {  	v0 =	vld [tilespmem:s19+$0x0];
	[tilespmem:s16+$0x0 ss:$0x81] =	vst.msk $0xffff, v1  }
0x35: {  	s16 =	sshra.s32 s20, $0x2;
	v1 =	vld [tilespmem:s19+$0xFFFFFFE0]  }
0x36: {  	s16 =	sadd.s32 s16, s17  }
0x37: {  	s19 =	sadd.s32 $0x40, s19;
	[tilespmem:s16+$0x1830 ss:$0x81] =	vst.msk $0xffff, v3  }
.Ltmp4:
0x38: {  	_ = 	snop;
	(pc) =	sbr.rel .LBB1_4-.Ltmp4, $1  }
0x39: {  	_ =	sdelay $0x3  }
.LBB1_6:
0x3a: {  	_ =	sfence.sel $0x180000  }
0x3b: {  	s2 =	simm.s32 $0x1;
	[bflag:$0x0] =	sbarrier.arrive $0xFFFF  }
0x3c: {  	s31 =	simm.s32 $0x2;
	[sflag:s2] =	ssyncpa.u1 $0x1  }
0x3d: {  	[sflag:s31] =	ssyncpa.u1 $0x1  }
0x3e: {  	p0 =	sne.s32 s0, $0x0;
	_ =	strace $0x9000004A  }
0x3f: {  	s0 =	sadd.s32 @!p0 $0x100000, s1;
	[bflag:$0x2] =	sbarrier.arrive $0xFFFF  }
0x40: {  	[sflag:s0] =	ssyncadd.tile.s32 @!p0 $0x1;
	_ =	shalt  }
.Lfunc_end1:
_tile_overlayer_lowered:
.L_overlay_start_2:
0x41: {  	(tag) =	ssettag $0x2  }
0x42: {  	s0 =	rddreg [dreg:$0x0];
	s2 =	stileid.u32  }
0x43: {  	s1 =	rddreg [dreg:$0x1];
	p0 =	sne.s32 s2, $0x0  }
0x44: {  	s3 =	rddreg [dreg:$0x2];
	[bflag:$0x3] =	sbarrier.arrive $0xFFFF;
	s2 =	simm.s32 @!p0 $0x1C01  }
0x45: {  	[timem:s3], [sflag:s2] =	dma.local @!p0 [hbm:s0], s1  }
0x46: {  	s0 =	simm.s32 @!p0 $0x1  }
0x47: {  	_ =	swait.ge @!p0 [sflag:s0], s1  }
0x48: {  	s1 =	ssub.s32 @!p0 $0x0, s1;
	[sflag:s0] =	ssyncset.done @!p0 $0x0  }
0x49: {  	[sflag:s0] =	ssyncadd.s32 @!p0 s1  }
0x4a: {  	[bflag:$0x3] =	sbarrier.arrive $0xFFFF  }
0x4b: {  	_ =	shalt  }

</sc_bundles>
